<compile_context>
chip_gen: v7x
topology: tpu7x:2x2x1
jax: 0.10.2.dev20260603
libtpu: 0.0.44.dev20260713+nightly
codegen_flags: <defaults>
</compile_context>

<pallas_src>
import functools

import numpy as np
import jax
import jax.numpy as jnp
from jax import lax
from jax.experimental import pallas as pl
from jax.experimental.pallas import tpu as pltpu
from jax.experimental.pallas import tpu_sc as plsc

_N_CLS = 20
_PER = 200
_SEL = 100
_DIM = 64
_NPAD = 4096
_NC = 2


_M32 = np.uint64(0xFFFFFFFF)


def _tf2x32(k0, k1, x0, x1):
    k0 = np.asarray(k0).astype(np.uint64)
    k1 = np.asarray(k1).astype(np.uint64)
    x0 = np.asarray(x0).astype(np.uint64)
    x1 = np.asarray(x1).astype(np.uint64)
    ks2 = (k0 ^ k1 ^ np.uint64(0x1BD11BDA)) & _M32
    ks = (k0, k1, ks2)
    rots = ((13, 15, 26, 6), (17, 29, 16, 24))
    x0 = (x0 + k0) & _M32
    x1 = (x1 + k1) & _M32
    for i in range(5):
        for r in rots[i % 2]:
            x0 = (x0 + x1) & _M32
            x1 = (((x1 << np.uint64(r)) | (x1 >> np.uint64(32 - r))) & _M32) ^ x0
        x0 = (x0 + ks[(i + 1) % 3]) & _M32
        x1 = (x1 + ks[(i + 2) % 3] + np.uint64(i + 1)) & _M32
    return x0.astype(np.uint32), x1.astype(np.uint32)


def _np_randint(key, n, span):
    b1, b2 = _tf2x32(key[0], key[1], np.zeros(2, np.uint32),
                     np.arange(2, dtype=np.uint32))
    k1, k2 = (b1[0], b2[0]), (b1[1], b2[1])
    zeros = np.zeros(n, np.uint32)
    cnt = np.arange(n, dtype=np.uint32)
    hi = (lambda a, b: a ^ b)(*_tf2x32(k1[0], k1[1], zeros, cnt)).astype(np.uint64)
    lo = (lambda a, b: a ^ b)(*_tf2x32(k2[0], k2[1], zeros, cnt)).astype(np.uint64)
    span = np.uint64(span)
    mult = np.uint64(2 ** 16) % span
    mult = (mult * mult) % span
    return (((hi % span) * mult + (lo % span)) % span).astype(np.int64)


def _build_weights() -> np.ndarray:
    w = np.zeros((_N_CLS, _NPAD), np.float32)
    for i in range(_N_CLS):
        for j in range(_N_CLS):
            if j == i:
                continue
            fk0, fk1 = _tf2x32(0, 1, 0, i * _N_CLS + j)
            pick = _np_randint((fk0, fk1), _PER, _PER)
            np.add.at(w[i], j * _PER + pick, 1.0)
    return w.reshape(_N_CLS, 1, _NPAD)


_W = _build_weights()


def _sc_gather(table, idx):
    mesh = plsc.ScalarSubcoreMesh(axis_name="c", num_cores=_NC)
    half = _NPAD // _NC
    chunk = 1024

    @functools.partial(
        pl.kernel,
        mesh=mesh,
        out_type=jax.ShapeDtypeStruct((_NPAD, _DIM), jnp.float32),
        scratch_types=[
            pltpu.SMEM((chunk,), jnp.int32),
            pltpu.SemaphoreType.DMA,
            pltpu.SemaphoreType.DMA,
        ],
    )
    def gk(table_hbm, idx_hbm, out_hbm, idx_s, isem, sem):
        base = lax.axis_index("c") * half

        def do_chunk(c, carry):
            cbase = base + c * chunk
            pltpu.async_copy(idx_hbm.at[pl.ds(cbase, chunk)], idx_s,
                             isem).wait()

            def issue(j, carry2):
                pltpu.async_copy(table_hbm.at[pl.ds(idx_s[j], 1), :],
                                 out_hbm.at[pl.ds(cbase + j, 1), :], sem)
                return carry2

            lax.fori_loop(0, chunk, issue, 0, unroll=8)

            def drain(j, carry2):
                pltpu.make_async_copy(
                    table_hbm.at[pl.ds(0, 1), :],
                    out_hbm.at[pl.ds(cbase + j, 1), :], sem).wait()
                return carry2

            lax.fori_loop(0, chunk, drain, 0, unroll=8)
            return carry

        lax.fori_loop(0, half // chunk, do_chunk, 0)

    return gk(table, idx)


def _f16_quant(x):
    bits = lax.bitcast_convert_type(x, jnp.int32)
    absb = bits & 0x7FFFFFFF
    signb = bits ^ absb
    lsb = (absb >> 13) & 1
    rounded = (absb + 4095 + lsb) & jnp.int32(-8192)
    ynorm = lax.bitcast_convert_type(signb | rounded, jnp.float32)
    s = x * 16777216.0
    r = (s + 12582912.0) - 12582912.0
    ysub = r * 5.9604644775390625e-08
    return jnp.where(absb < (113 << 23), ysub, ynorm)


def _f16_lt_threshold(d32):
    db = lax.bitcast_convert_type(d32, jnp.int32)
    lsb = (db >> 13) & 1
    hb = ((db + 4095 + lsb) >> 13) - (112 << 10)
    pe, pm = hb >> 10, hb & 1023
    d16v = lax.bitcast_convert_type(((pe + 112) << 23) | (pm << 13),
                                    jnp.float32)
    pb = hb - 1
    qe, qm = pb >> 10, pb & 1023
    pred = lax.bitcast_convert_type(((qe + 112) << 23) | (qm << 13),
                                    jnp.float32)
    mid = 0.5 * (pred + d16v)
    midb = lax.bitcast_convert_type(mid, jnp.int32)
    return lax.bitcast_convert_type(midb + (hb & 1), jnp.float32)


def _row_of(col):
    return lax.dot_general(
        jnp.ones((1, 1), jnp.float32), col,
        (((1,), (1,)), ((), ())),
        precision=lax.Precision.HIGHEST,
        preferred_element_type=jnp.float32,
    )


def _tc_body(d_ref, start_ref, g_ref, w_ref, wc_ref, ids_ref, out_ref,
             g16_ref, nb_ref):
    i = pl.program_id(0)

    @pl.when(i == 0)
    def _():
        g16_ref[...] = _f16_quant(g_ref[...])
        g32_0 = g16_ref[...]
        nb_col = jnp.sum(g32_0 * g32_0, axis=1, keepdims=True)
        nb_ref[...] = _row_of(nb_col)

    g32 = g16_ref[...]
    a32 = g16_ref[pl.ds(i * _PER, _PER), :]
    prod2 = lax.dot_general(
        a32 + a32, g32, (((1,), (1,)), ((), ())),
        precision=lax.Precision.DEFAULT,
        preferred_element_type=jnp.float32,
    )
    na = jnp.sum(a32 * a32, axis=1, keepdims=True)
    sq = (na + nb_ref[...]) - prod2
    dist = jnp.sqrt(jnp.maximum(sq, 0.0))
    cmpf = (dist < _f16_lt_threshold(d_ref[0])).astype(jnp.float32)
    counts_col = lax.dot_general(
        cmpf, wc_ref[0], (((1,), (0,)), ((), ())),
        precision=lax.Precision.DEFAULT,
        preferred_element_type=jnp.float32).astype(jnp.int32)
    counts_row = lax.dot_general(
        w_ref[0], cmpf, (((1,), (1,)), ((), ())),
        precision=lax.Precision.DEFAULT,
        preferred_element_type=jnp.float32).astype(jnp.int32)

    idx_col = lax.broadcasted_iota(jnp.int32, (_PER, 1), 0)
    idx_row = lax.broadcasted_iota(jnp.int32, (1, _PER), 1)
    key_col = counts_col * 256 + idx_col
    key_row = counts_row * 256 + idx_row
    less = key_row < key_col
    rank = jnp.sum(less.astype(jnp.int32), axis=1, keepdims=True)

    tgt = lax.broadcasted_iota(jnp.int32, (1, _SEL), 1) + start_ref[0]
    hit = rank == tgt
    ids_col = ids_ref[0]
    out_ref[0] = jnp.sum(jnp.where(hit, ids_col, 0), axis=0, keepdims=True)


def _tc_main(g, w, wc, ids3, d_arr, start_arr):
    return pl.pallas_call(
        _tc_body,
        grid=(_N_CLS,),
        in_specs=[
            pl.BlockSpec(memory_space=pltpu.SMEM),
            pl.BlockSpec(memory_space=pltpu.SMEM),
            pl.BlockSpec((_NPAD, _DIM), lambda i: (0, 0)),
            pl.BlockSpec((1, 1, _NPAD), lambda i: (i, 0, 0)),
            pl.BlockSpec((1, _NPAD, 1), lambda i: (i, 0, 0)),
            pl.BlockSpec((1, _PER, 1), lambda i: (i, 0, 0)),
        ],
        out_specs=pl.BlockSpec((1, 1, _SEL), lambda i: (i, 0, 0)),
        out_shape=jax.ShapeDtypeStruct((_N_CLS, 1, _SEL), jnp.int32),
        scratch_shapes=[
            pltpu.VMEM((_NPAD, _DIM), jnp.float32),
            pltpu.VMEM((1, _NPAD), jnp.float32),
        ],
    )(d_arr, start_arr, g, w, wc, ids3)


def kernel(ids_per_cls_train, budget, feats, reps, d):
    ids_flat = ids_per_cls_train.reshape(-1).astype(jnp.int32)
    idx = jnp.concatenate(
        [ids_flat, jnp.zeros((_NPAD - _N_CLS * _PER,), jnp.int32)])
    g = _sc_gather(reps, idx)
    ids3 = ids_per_cls_train.reshape(_N_CLS, _PER, 1).astype(jnp.int32)
    d_arr = jnp.asarray(d, jnp.float32).reshape(1)
    start_arr = jnp.clip(
        jnp.asarray(budget, jnp.int32) - _SEL, 0, _PER - _SEL).reshape(1)
    out = _tc_main(g, jnp.asarray(_W), jnp.asarray(_W).reshape(_N_CLS, _NPAD, 1),
                   ids3, d_arr, start_arr)
    return out.reshape(_N_CLS * _SEL)

# --- scband reference (transcript-rebuilt; emitter-appended) ---
"""Pipeline reference for scband-cm-sampler-14224931684941 (READ-ONLY COPY).

The authoritative reference and input builder live on the scoring server;
editing this copy changes nothing except your own understanding.
"""

import jax, jax.numpy as jnp
import numpy as np

N = 1000000
D = 64
N_CLS = 20
PER_CLS = 200
BUDGET = 100
DTHRESH = 11


def _cdist_f16(a, b):
    # torch.cdist on half tensors; compute in fp32 for stability then cast back
    a32 = a.astype(jnp.float32)
    b32 = b.astype(jnp.float32)
    sq = (jnp.sum(a32 * a32, axis=-1, keepdims=True)
          + jnp.sum(b32 * b32, axis=-1)[None, :]
          - 2.0 * (a32 @ b32.T))
    return jnp.sqrt(jnp.maximum(sq, 0.0)).astype(jnp.float16)


def setup_inputs(seed: int = 0):
    key = jax.random.key(seed)
    k1, k2, k3 = jax.random.split(key, 3)
    ids = jax.random.randint(k1, (N_CLS, PER_CLS), 0, N)
    feats = jax.random.normal(k2, (N, D), dtype=jnp.float32)
    reps = jax.random.normal(k3, (N, D), dtype=jnp.float32)
    return {"ids_per_cls_train": ids, "budget": BUDGET, "feats": feats, "reps": reps, "d": DTHRESH}


def reference(ids_per_cls_train, budget, feats, reps, d):
    # plus=True -> sampling uses reps; feats path is the plus=False branch
    vecs = reps.astype(jnp.float16)
    n_cls = ids_per_cls_train.shape[0]
    per = ids_per_cls_train.shape[1]
    # per-class len (200) < budget_dist_compute (1000) so ids_selected0 = all class ids;
    # sampling-with-replacement of other-class ids is made deterministic via fixed keys
    selected = []
    for i in range(n_cls):
        ids_i = ids_per_cls_train[i]
        sel0 = jnp.take(vecs, ids_i, axis=0)
        dists = []
        for j in range(n_cls):
            if j == i:
                continue
            kk = jax.random.fold_in(jax.random.key(1), i * n_cls + j)
            pick = jax.random.randint(kk, (per,), 0, per)
            ids_j = jnp.take(ids_per_cls_train[j], pick)
            dists.append(_cdist_f16(sel0, jnp.take(vecs, ids_j, axis=0)))
        dist_ = jnp.concatenate(dists, axis=-1)
        n_selected = (dist_ < d).sum(axis=-1)
        rank = jnp.argsort(n_selected)
        top = jax.lax.dynamic_slice_in_dim(rank, budget - BUDGET, BUDGET)
        selected.append(jnp.take(ids_i, top))
    return jnp.concatenate(selected)

if __name__ == "__main__":
    import jax
    _d = setup_inputs()
    print(jax.jit(kernel)(*tuple(_d.values())))

</pallas_src>

<mosaic_0001>
#map = affine_map<(d0) -> (0, 0)>
#map1 = affine_map<(d0) -> (0)>
module attributes {stable_mosaic.version = 14 : i64} {
  func.func @gk(%arg0: i32, %arg1: memref<1000000x64xf32, #tpu.memory_space<hbm>>, %arg2: memref<4096xi32, #tpu.memory_space<hbm>>, %arg3: memref<4096x64xf32, #tpu.memory_space<hbm>>, %arg4: memref<1024xi32, #tpu.memory_space<smem>>, %arg5: memref<!tpu.dma_semaphore, #tpu.memory_space<semaphore_mem>>, %arg6: memref<!tpu.dma_semaphore, #tpu.memory_space<semaphore_mem>>) attributes {dimension_semantics = [#tpu.dimension_semantics<core_parallel>], iteration_bounds = array<i64: 2>, scalar_prefetch = 0 : i64, scratch_operands = 3 : i64, tpu.core_type = #tpu.core_type<sc_scalar_subcore>, window_params = [{transform_indices = #map}, {transform_indices = #map1}, {transform_indices = #map}]} {
    %mul3A = arith.constant 2048 : i32
    %mul3A_0 = arith.muli %arg0, %mul3A : i32
    %scan3A = arith.constant 0 : i32
    %scan3A_1 = arith.constant 0 : i32
    %scan3A_2 = arith.constant 2 : i32
    %scan3A_3 = arith.addi %scan3A_1, %scan3A_2 : i32
    %scan3A_4 = arith.constant 1 : i32
    scf.for %scan3A_6 = %scan3A_1 to %scan3A_3 step %scan3A_4  : i32 {
      %mul3A_7 = arith.constant 1024 : i32
      %mul3A_8 = arith.muli %scan3A_6, %mul3A_7 : i32
      %add3A = arith.addi %mul3A_0, %mul3A_8 : i32
      %dma_start3A = tpu.memref_slice %arg2[%add3A] : memref<4096xi32, #tpu.memory_space<hbm>> -> memref<1024xi32, #tpu.memory_space<hbm>>
      tpu.enqueue_dma source(%dma_start3A : memref<1024xi32, #tpu.memory_space<hbm>>) target(%arg4 : memref<1024xi32, #tpu.memory_space<smem>>) target_semaphore(%arg5 : memref<!tpu.dma_semaphore, #tpu.memory_space<semaphore_mem>>)
      %dma_wait3A = tpu.memref_slice %arg2[%add3A] : memref<4096xi32, #tpu.memory_space<hbm>> -> memref<1024xi32, #tpu.memory_space<hbm>>
      tpu.wait_dma2 semaphore(%arg5 : memref<!tpu.dma_semaphore, #tpu.memory_space<semaphore_mem>>) src(%dma_wait3A : memref<1024xi32, #tpu.memory_space<hbm>>) dst(%arg4 : memref<1024xi32, #tpu.memory_space<smem>>)
      %scan3A_9 = arith.constant 0 : i32
      %scan3A_10 = arith.constant 0 : i32
      %scan3A_11 = arith.constant 1024 : i32
      %scan3A_12 = arith.addi %scan3A_10, %scan3A_11 : i32
      %scan3A_13 = arith.constant 8 : i32
      scf.for %scan3A_21 = %scan3A_10 to %scan3A_12 step %scan3A_13  : i32 {
        %get3A = arith.index_cast %scan3A_21 : i32 to index
        %get3A_22 = memref.load %arg4[%get3A] : memref<1024xi32, #tpu.memory_space<smem>>
        %add3A_23 = arith.addi %add3A, %scan3A_21 : i32
        %dma_start3A_24 = arith.constant 0 : i32
        %dma_start3A_25 = tpu.memref_slice %arg3[%add3A_23, %dma_start3A_24] : memref<4096x64xf32, #tpu.memory_space<hbm>> -> memref<1x64xf32, #tpu.memory_space<hbm>>
        %dma_start3A_26 = arith.constant 0 : i32
        %dma_start3A_27 = tpu.memref_slice %arg1[%get3A_22, %dma_start3A_26] : memref<1000000x64xf32, #tpu.memory_space<hbm>> -> memref<1x64xf32, #tpu.memory_space<hbm>>
        tpu.enqueue_dma source(%dma_start3A_27 : memref<1x64xf32, #tpu.memory_space<hbm>>) target(%dma_start3A_25 : memref<1x64xf32, #tpu.memory_space<hbm>>) target_semaphore(%arg6 : memref<!tpu.dma_semaphore, #tpu.memory_space<semaphore_mem>>)
        %scan3A_28 = arith.constant 1 : i32
        %scan3A_29 = arith.addi %scan3A_21, %scan3A_28 : i32
        %get3A_30 = arith.index_cast %scan3A_29 : i32 to index
        %get3A_31 = memref.load %arg4[%get3A_30] : memref<1024xi32, #tpu.memory_space<smem>>
        %add3A_32 = arith.addi %add3A, %scan3A_29 : i32
        %dma_start3A_33 = arith.constant 0 : i32
        %dma_start3A_34 = tpu.memref_slice %arg3[%add3A_32, %dma_start3A_33] : memref<4096x64xf32, #tpu.memory_space<hbm>> -> memref<1x64xf32, #tpu.memory_space<hbm>>
        %dma_start3A_35 = arith.constant 0 : i32
        %dma_start3A_36 = tpu.memref_slice %arg1[%get3A_31, %dma_start3A_35] : memref<1000000x64xf32, #tpu.memory_space<hbm>> -> memref<1x64xf32, #tpu.memory_space<hbm>>
        tpu.enqueue_dma source(%dma_start3A_36 : memref<1x64xf32, #tpu.memory_space<hbm>>) target(%dma_start3A_34 : memref<1x64xf32, #tpu.memory_space<hbm>>) target_semaphore(%arg6 : memref<!tpu.dma_semaphore, #tpu.memory_space<semaphore_mem>>)
        %scan3A_37 = arith.constant 2 : i32
        %scan3A_38 = arith.addi %scan3A_21, %scan3A_37 : i32
        %get3A_39 = arith.index_cast %scan3A_38 : i32 to index
        %get3A_40 = memref.load %arg4[%get3A_39] : memref<1024xi32, #tpu.memory_space<smem>>
        %add3A_41 = arith.addi %add3A, %scan3A_38 : i32
        %dma_start3A_42 = arith.constant 0 : i32
        %dma_start3A_43 = tpu.memref_slice %arg3[%add3A_41, %dma_start3A_42] : memref<4096x64xf32, #tpu.memory_space<hbm>> -> memref<1x64xf32, #tpu.memory_space<hbm>>
        %dma_start3A_44 = arith.constant 0 : i32
        %dma_start3A_45 = tpu.memref_slice %arg1[%get3A_40, %dma_start3A_44] : memref<1000000x64xf32, #tpu.memory_space<hbm>> -> memref<1x64xf32, #tpu.memory_space<hbm>>
        tpu.enqueue_dma source(%dma_start3A_45 : memref<1x64xf32, #tpu.memory_space<hbm>>) target(%dma_start3A_43 : memref<1x64xf32, #tpu.memory_space<hbm>>) target_semaphore(%arg6 : memref<!tpu.dma_semaphore, #tpu.memory_space<semaphore_mem>>)
        %scan3A_46 = arith.constant 3 : i32
        %scan3A_47 = arith.addi %scan3A_21, %scan3A_46 : i32
        %get3A_48 = arith.index_cast %scan3A_47 : i32 to index
        %get3A_49 = memref.load %arg4[%get3A_48] : memref<1024xi32, #tpu.memory_space<smem>>
        %add3A_50 = arith.addi %add3A, %scan3A_47 : i32
        %dma_start3A_51 = arith.constant 0 : i32
        %dma_start3A_52 = tpu.memref_slice %arg3[%add3A_50, %dma_start3A_51] : memref<4096x64xf32, #tpu.memory_space<hbm>> -> memref<1x64xf32, #tpu.memory_space<hbm>>
        %dma_start3A_53 = arith.constant 0 : i32
        %dma_start3A_54 = tpu.memref_slice %arg1[%get3A_49, %dma_start3A_53] : memref<1000000x64xf32, #tpu.memory_space<hbm>> -> memref<1x64xf32, #tpu.memory_space<hbm>>
        tpu.enqueue_dma source(%dma_start3A_54 : memref<1x64xf32, #tpu.memory_space<hbm>>) target(%dma_start3A_52 : memref<1x64xf32, #tpu.memory_space<hbm>>) target_semaphore(%arg6 : memref<!tpu.dma_semaphore, #tpu.memory_space<semaphore_mem>>)
        %scan3A_55 = arith.constant 4 : i32
        %scan3A_56 = arith.addi %scan3A_21, %scan3A_55 : i32
        %get3A_57 = arith.index_cast %scan3A_56 : i32 to index
        %get3A_58 = memref.load %arg4[%get3A_57] : memref<1024xi32, #tpu.memory_space<smem>>
        %add3A_59 = arith.addi %add3A, %scan3A_56 : i32
        %dma_start3A_60 = arith.constant 0 : i32
        %dma_start3A_61 = tpu.memref_slice %arg3[%add3A_59, %dma_start3A_60] : memref<4096x64xf32, #tpu.memory_space<hbm>> -> memref<1x64xf32, #tpu.memory_space<hbm>>
        %dma_start3A_62 = arith.constant 0 : i32
        %dma_start3A_63 = tpu.memref_slice %arg1[%get3A_58, %dma_start3A_62] : memref<1000000x64xf32, #tpu.memory_space<hbm>> -> memref<1x64xf32, #tpu.memory_space<hbm>>
        tpu.enqueue_dma source(%dma_start3A_63 : memref<1x64xf32, #tpu.memory_space<hbm>>) target(%dma_start3A_61 : memref<1x64xf32, #tpu.memory_space<hbm>>) target_semaphore(%arg6 : memref<!tpu.dma_semaphore, #tpu.memory_space<semaphore_mem>>)
        %scan3A_64 = arith.constant 5 : i32
        %scan3A_65 = arith.addi %scan3A_21, %scan3A_64 : i32
        %get3A_66 = arith.index_cast %scan3A_65 : i32 to index
        %get3A_67 = memref.load %arg4[%get3A_66] : memref<1024xi32, #tpu.memory_space<smem>>
        %add3A_68 = arith.addi %add3A, %scan3A_65 : i32
        %dma_start3A_69 = arith.constant 0 : i32
        %dma_start3A_70 = tpu.memref_slice %arg3[%add3A_68, %dma_start3A_69] : memref<4096x64xf32, #tpu.memory_space<hbm>> -> memref<1x64xf32, #tpu.memory_space<hbm>>
        %dma_start3A_71 = arith.constant 0 : i32
        %dma_start3A_72 = tpu.memref_slice %arg1[%get3A_67, %dma_start3A_71] : memref<1000000x64xf32, #tpu.memory_space<hbm>> -> memref<1x64xf32, #tpu.memory_space<hbm>>
        tpu.enqueue_dma source(%dma_start3A_72 : memref<1x64xf32, #tpu.memory_space<hbm>>) target(%dma_start3A_70 : memref<1x64xf32, #tpu.memory_space<hbm>>) target_semaphore(%arg6 : memref<!tpu.dma_semaphore, #tpu.memory_space<semaphore_mem>>)
        %scan3A_73 = arith.constant 6 : i32
        %scan3A_74 = arith.addi %scan3A_21, %scan3A_73 : i32
        %get3A_75 = arith.index_cast %scan3A_74 : i32 to index
        %get3A_76 = memref.load %arg4[%get3A_75] : memref<1024xi32, #tpu.memory_space<smem>>
        %add3A_77 = arith.addi %add3A, %scan3A_74 : i32
        %dma_start3A_78 = arith.constant 0 : i32
        %dma_start3A_79 = tpu.memref_slice %arg3[%add3A_77, %dma_start3A_78] : memref<4096x64xf32, #tpu.memory_space<hbm>> -> memref<1x64xf32, #tpu.memory_space<hbm>>
        %dma_start3A_80 = arith.constant 0 : i32
        %dma_start3A_81 = tpu.memref_slice %arg1[%get3A_76, %dma_start3A_80] : memref<1000000x64xf32, #tpu.memory_space<hbm>> -> memref<1x64xf32, #tpu.memory_space<hbm>>
        tpu.enqueue_dma source(%dma_start3A_81 : memref<1x64xf32, #tpu.memory_space<hbm>>) target(%dma_start3A_79 : memref<1x64xf32, #tpu.memory_space<hbm>>) target_semaphore(%arg6 : memref<!tpu.dma_semaphore, #tpu.memory_space<semaphore_mem>>)
        %scan3A_82 = arith.constant 7 : i32
        %scan3A_83 = arith.addi %scan3A_21, %scan3A_82 : i32
        %get3A_84 = arith.index_cast %scan3A_83 : i32 to index
        %get3A_85 = memref.load %arg4[%get3A_84] : memref<1024xi32, #tpu.memory_space<smem>>
        %add3A_86 = arith.addi %add3A, %scan3A_83 : i32
        %dma_start3A_87 = arith.constant 0 : i32
        %dma_start3A_88 = tpu.memref_slice %arg3[%add3A_86, %dma_start3A_87] : memref<4096x64xf32, #tpu.memory_space<hbm>> -> memref<1x64xf32, #tpu.memory_space<hbm>>
        %dma_start3A_89 = arith.constant 0 : i32
        %dma_start3A_90 = tpu.memref_slice %arg1[%get3A_85, %dma_start3A_89] : memref<1000000x64xf32, #tpu.memory_space<hbm>> -> memref<1x64xf32, #tpu.memory_space<hbm>>
        tpu.enqueue_dma source(%dma_start3A_90 : memref<1x64xf32, #tpu.memory_space<hbm>>) target(%dma_start3A_88 : memref<1x64xf32, #tpu.memory_space<hbm>>) target_semaphore(%arg6 : memref<!tpu.dma_semaphore, #tpu.memory_space<semaphore_mem>>)
      }
      %scan3A_14 = arith.constant 1024 : i32
      %scan3A_15 = arith.constant 0 : i32
      %scan3A_16 = arith.constant 0 : i32
      %scan3A_17 = arith.constant 1024 : i32
      %scan3A_18 = arith.addi %scan3A_16, %scan3A_17 : i32
      %scan3A_19 = arith.constant 8 : i32
      scf.for %scan3A_21 = %scan3A_16 to %scan3A_18 step %scan3A_19  : i32 {
        %add3A_22 = arith.addi %add3A, %scan3A_21 : i32
        %dma_wait3A_23 = arith.constant 0 : i32
        %dma_wait3A_24 = tpu.memref_slice %arg3[%add3A_22, %dma_wait3A_23] : memref<4096x64xf32, #tpu.memory_space<hbm>> -> memref<1x64xf32, #tpu.memory_space<hbm>>
        %dma_wait3A_25 = arith.constant 0 : i32
        %dma_wait3A_26 = arith.constant 0 : i32
        %dma_wait3A_27 = tpu.memref_slice %arg1[%dma_wait3A_25, %dma_wait3A_26] : memref<1000000x64xf32, #tpu.memory_space<hbm>> -> memref<1x64xf32, #tpu.memory_space<hbm>>
        tpu.wait_dma2 semaphore(%arg6 : memref<!tpu.dma_semaphore, #tpu.memory_space<semaphore_mem>>) src(%dma_wait3A_27 : memref<1x64xf32, #tpu.memory_space<hbm>>) dst(%dma_wait3A_24 : memref<1x64xf32, #tpu.memory_space<hbm>>)
        %scan3A_28 = arith.constant 1 : i32
        %scan3A_29 = arith.addi %scan3A_21, %scan3A_28 : i32
        %add3A_30 = arith.addi %add3A, %scan3A_29 : i32
        %dma_wait3A_31 = arith.constant 0 : i32
        %dma_wait3A_32 = tpu.memref_slice %arg3[%add3A_30, %dma_wait3A_31] : memref<4096x64xf32, #tpu.memory_space<hbm>> -> memref<1x64xf32, #tpu.memory_space<hbm>>
        %dma_wait3A_33 = arith.constant 0 : i32
        %dma_wait3A_34 = arith.constant 0 : i32
        %dma_wait3A_35 = tpu.memref_slice %arg1[%dma_wait3A_33, %dma_wait3A_34] : memref<1000000x64xf32, #tpu.memory_space<hbm>> -> memref<1x64xf32, #tpu.memory_space<hbm>>
        tpu.wait_dma2 semaphore(%arg6 : memref<!tpu.dma_semaphore, #tpu.memory_space<semaphore_mem>>) src(%dma_wait3A_35 : memref<1x64xf32, #tpu.memory_space<hbm>>) dst(%dma_wait3A_32 : memref<1x64xf32, #tpu.memory_space<hbm>>)
        %scan3A_36 = arith.constant 2 : i32
        %scan3A_37 = arith.addi %scan3A_21, %scan3A_36 : i32
        %add3A_38 = arith.addi %add3A, %scan3A_37 : i32
        %dma_wait3A_39 = arith.constant 0 : i32
        %dma_wait3A_40 = tpu.memref_slice %arg3[%add3A_38, %dma_wait3A_39] : memref<4096x64xf32, #tpu.memory_space<hbm>> -> memref<1x64xf32, #tpu.memory_space<hbm>>
        %dma_wait3A_41 = arith.constant 0 : i32
        %dma_wait3A_42 = arith.constant 0 : i32
        %dma_wait3A_43 = tpu.memref_slice %arg1[%dma_wait3A_41, %dma_wait3A_42] : memref<1000000x64xf32, #tpu.memory_space<hbm>> -> memref<1x64xf32, #tpu.memory_space<hbm>>
        tpu.wait_dma2 semaphore(%arg6 : memref<!tpu.dma_semaphore, #tpu.memory_space<semaphore_mem>>) src(%dma_wait3A_43 : memref<1x64xf32, #tpu.memory_space<hbm>>) dst(%dma_wait3A_40 : memref<1x64xf32, #tpu.memory_space<hbm>>)
        %scan3A_44 = arith.constant 3 : i32
        %scan3A_45 = arith.addi %scan3A_21, %scan3A_44 : i32
        %add3A_46 = arith.addi %add3A, %scan3A_45 : i32
        %dma_wait3A_47 = arith.constant 0 : i32
        %dma_wait3A_48 = tpu.memref_slice %arg3[%add3A_46, %dma_wait3A_47] : memref<4096x64xf32, #tpu.memory_space<hbm>> -> memref<1x64xf32, #tpu.memory_space<hbm>>
        %dma_wait3A_49 = arith.constant 0 : i32
        %dma_wait3A_50 = arith.constant 0 : i32
        %dma_wait3A_51 = tpu.memref_slice %arg1[%dma_wait3A_49, %dma_wait3A_50] : memref<1000000x64xf32, #tpu.memory_space<hbm>> -> memref<1x64xf32, #tpu.memory_space<hbm>>
        tpu.wait_dma2 semaphore(%arg6 : memref<!tpu.dma_semaphore, #tpu.memory_space<semaphore_mem>>) src(%dma_wait3A_51 : memref<1x64xf32, #tpu.memory_space<hbm>>) dst(%dma_wait3A_48 : memref<1x64xf32, #tpu.memory_space<hbm>>)
        %scan3A_52 = arith.constant 4 : i32
        %scan3A_53 = arith.addi %scan3A_21, %scan3A_52 : i32
        %add3A_54 = arith.addi %add3A, %scan3A_53 : i32
        %dma_wait3A_55 = arith.constant 0 : i32
        %dma_wait3A_56 = tpu.memref_slice %arg3[%add3A_54, %dma_wait3A_55] : memref<4096x64xf32, #tpu.memory_space<hbm>> -> memref<1x64xf32, #tpu.memory_space<hbm>>
        %dma_wait3A_57 = arith.constant 0 : i32
        %dma_wait3A_58 = arith.constant 0 : i32
        %dma_wait3A_59 = tpu.memref_slice %arg1[%dma_wait3A_57, %dma_wait3A_58] : memref<1000000x64xf32, #tpu.memory_space<hbm>> -> memref<1x64xf32, #tpu.memory_space<hbm>>
        tpu.wait_dma2 semaphore(%arg6 : memref<!tpu.dma_semaphore, #tpu.memory_space<semaphore_mem>>) src(%dma_wait3A_59 : memref<1x64xf32, #tpu.memory_space<hbm>>) dst(%dma_wait3A_56 : memref<1x64xf32, #tpu.memory_space<hbm>>)
        %scan3A_60 = arith.constant 5 : i32
        %scan3A_61 = arith.addi %scan3A_21, %scan3A_60 : i32
        %add3A_62 = arith.addi %add3A, %scan3A_61 : i32
        %dma_wait3A_63 = arith.constant 0 : i32
        %dma_wait3A_64 = tpu.memref_slice %arg3[%add3A_62, %dma_wait3A_63] : memref<4096x64xf32, #tpu.memory_space<hbm>> -> memref<1x64xf32, #tpu.memory_space<hbm>>
        %dma_wait3A_65 = arith.constant 0 : i32
        %dma_wait3A_66 = arith.constant 0 : i32
        %dma_wait3A_67 = tpu.memref_slice %arg1[%dma_wait3A_65, %dma_wait3A_66] : memref<1000000x64xf32, #tpu.memory_space<hbm>> -> memref<1x64xf32, #tpu.memory_space<hbm>>
        tpu.wait_dma2 semaphore(%arg6 : memref<!tpu.dma_semaphore, #tpu.memory_space<semaphore_mem>>) src(%dma_wait3A_67 : memref<1x64xf32, #tpu.memory_space<hbm>>) dst(%dma_wait3A_64 : memref<1x64xf32, #tpu.memory_space<hbm>>)
        %scan3A_68 = arith.constant 6 : i32
        %scan3A_69 = arith.addi %scan3A_21, %scan3A_68 : i32
        %add3A_70 = arith.addi %add3A, %scan3A_69 : i32
        %dma_wait3A_71 = arith.constant 0 : i32
        %dma_wait3A_72 = tpu.memref_slice %arg3[%add3A_70, %dma_wait3A_71] : memref<4096x64xf32, #tpu.memory_space<hbm>> -> memref<1x64xf32, #tpu.memory_space<hbm>>
        %dma_wait3A_73 = arith.constant 0 : i32
        %dma_wait3A_74 = arith.constant 0 : i32
        %dma_wait3A_75 = tpu.memref_slice %arg1[%dma_wait3A_73, %dma_wait3A_74] : memref<1000000x64xf32, #tpu.memory_space<hbm>> -> memref<1x64xf32, #tpu.memory_space<hbm>>
        tpu.wait_dma2 semaphore(%arg6 : memref<!tpu.dma_semaphore, #tpu.memory_space<semaphore_mem>>) src(%dma_wait3A_75 : memref<1x64xf32, #tpu.memory_space<hbm>>) dst(%dma_wait3A_72 : memref<1x64xf32, #tpu.memory_space<hbm>>)
        %scan3A_76 = arith.constant 7 : i32
        %scan3A_77 = arith.addi %scan3A_21, %scan3A_76 : i32
        %add3A_78 = arith.addi %add3A, %scan3A_77 : i32
        %dma_wait3A_79 = arith.constant 0 : i32
        %dma_wait3A_80 = tpu.memref_slice %arg3[%add3A_78, %dma_wait3A_79] : memref<4096x64xf32, #tpu.memory_space<hbm>> -> memref<1x64xf32, #tpu.memory_space<hbm>>
        %dma_wait3A_81 = arith.constant 0 : i32
        %dma_wait3A_82 = arith.constant 0 : i32
        %dma_wait3A_83 = tpu.memref_slice %arg1[%dma_wait3A_81, %dma_wait3A_82] : memref<1000000x64xf32, #tpu.memory_space<hbm>> -> memref<1x64xf32, #tpu.memory_space<hbm>>
        tpu.wait_dma2 semaphore(%arg6 : memref<!tpu.dma_semaphore, #tpu.memory_space<semaphore_mem>>) src(%dma_wait3A_83 : memref<1x64xf32, #tpu.memory_space<hbm>>) dst(%dma_wait3A_80 : memref<1x64xf32, #tpu.memory_space<hbm>>)
      }
      %scan3A_20 = arith.constant 1024 : i32
    }
    %scan3A_5 = arith.constant 2 : i32
    return
  }
}

module attributes {stable_mosaic.version = 14 : i64} {
  func.func @_tc_body(%arg0: i32, %arg1: memref<1xf32, #tpu.memory_space<smem>>, %arg2: memref<1xi32, #tpu.memory_space<smem>>, %arg3: memref<4096x64xf32, #tpu.memory_space<vmem>>, %arg4: memref<1x1x4096xf32, #tpu.memory_space<vmem>>, %arg5: memref<1x4096x1xf32, #tpu.memory_space<vmem>>, %arg6: memref<1x200x1xi32, #tpu.memory_space<vmem>>, %arg7: memref<1x1x100xi32, #tpu.memory_space<vmem>>, %arg8: memref<4096x64xf32, #tpu.memory_space<vmem>>, %arg9: memref<1x4096xf32, #tpu.memory_space<vmem>>) attributes {dimension_semantics = [#tpu.dimension_semantics<arbitrary>], iteration_bounds = array<i64: 20>, scalar_prefetch = 0 : i64, scratch_operands = 2 : i64, tpu.core_type = #tpu.core_type<tc>, window_params = [{transform_indices = @transform_0, window_bounds = array<i64: 1>}, {transform_indices = @transform_1, window_bounds = array<i64: 1>}, {pipeline_mode = #tpu.pipeline_mode<synchronous>, transform_indices = @transform_2, window_bounds = array<i64: 4096, 64>}, {transform_indices = @transform_3, window_bounds = array<i64: 1, 1, 4096>}, {transform_indices = @transform_4, window_bounds = array<i64: 1, 4096, 1>}, {transform_indices = @transform_5, window_bounds = array<i64: 1, 200, 1>}, {transform_indices = @transform_6, window_bounds = array<i64: 1, 1, 100>}]} {
    %eq3A = arith.constant 0 : i32
    %eq3A_0 = arith.cmpi eq, %arg0, %eq3A : i32
    %convert_element_type3A = arith.extui %eq3A_0 : i1 to i32
    %cond3A = arith.constant 0 : i32
    %cond3A_1 = arith.cmpi ne, %convert_element_type3A, %cond3A : i32
    scf.if %cond3A_1 {
      %get3A_121 = arith.constant 0 : index
      %get3A_122 = arith.constant 0 : index
      %get3A_123 = vector.load %arg3[%get3A_121, %get3A_122] : memref<4096x64xf32, #tpu.memory_space<vmem>>, vector<4096x64xf32>
      %bitcast_convert_type3A_124 = tpu.bitcast %get3A_123 : vector<4096x64xf32> -> vector<4096x64xi32>
      %and3A_125 = arith.constant 2147483647 : i32
      %and3A_126 = vector.broadcast %and3A_125 : i32 to vector<4096x64xi32>
      %and3A_127 = arith.andi %bitcast_convert_type3A_124, %and3A_126 : vector<4096x64xi32>
      %xor3A = arith.xori %bitcast_convert_type3A_124, %and3A_127 : vector<4096x64xi32>
      %shift_right_arithmetic3A_128 = arith.constant 13 : i32
      %shift_right_arithmetic3A_129 = vector.broadcast %shift_right_arithmetic3A_128 : i32 to vector<4096x64xi32>
      %shift_right_arithmetic3A_130 = arith.shrsi %and3A_127, %shift_right_arithmetic3A_129 : vector<4096x64xi32>
      %and3A_131 = arith.constant 1 : i32
      %and3A_132 = vector.broadcast %and3A_131 : i32 to vector<4096x64xi32>
      %and3A_133 = arith.andi %shift_right_arithmetic3A_130, %and3A_132 : vector<4096x64xi32>
      %add3A_134 = arith.constant 4095 : i32
      %add3A_135 = vector.broadcast %add3A_134 : i32 to vector<4096x64xi32>
      %add3A_136 = arith.addi %and3A_127, %add3A_135 : vector<4096x64xi32>
      %add3A_137 = arith.addi %add3A_136, %and3A_133 : vector<4096x64xi32>
      %and3A_138 = arith.constant -8192 : i32
      %and3A_139 = vector.broadcast %and3A_138 : i32 to vector<4096x64xi32>
      %and3A_140 = arith.andi %add3A_137, %and3A_139 : vector<4096x64xi32>
      %or3A_141 = arith.ori %xor3A, %and3A_140 : vector<4096x64xi32>
      %bitcast_convert_type3A_142 = tpu.bitcast %or3A_141 : vector<4096x64xi32> -> vector<4096x64xf32>
      %mul3A_143 = arith.constant 0x4B800000 : f32
      %mul3A_144 = vector.broadcast %mul3A_143 : f32 to vector<4096x64xf32>
      %mul3A_145 = arith.mulf %get3A_123, %mul3A_144 : vector<4096x64xf32>
      %add3A_146 = arith.constant 0x4B400000 : f32
      %add3A_147 = vector.broadcast %add3A_146 : f32 to vector<4096x64xf32>
      %add3A_148 = arith.addf %mul3A_145, %add3A_147 : vector<4096x64xf32>
      %sub3A_149 = arith.constant 0x4B400000 : f32
      %sub3A_150 = vector.broadcast %sub3A_149 : f32 to vector<4096x64xf32>
      %sub3A_151 = arith.subf %add3A_148, %sub3A_150 : vector<4096x64xf32>
      %mul3A_152 = arith.constant 5.96046448E-8 : f32
      %mul3A_153 = vector.broadcast %mul3A_152 : f32 to vector<4096x64xf32>
      %mul3A_154 = arith.mulf %sub3A_151, %mul3A_153 : vector<4096x64xf32>
      %lt3A_155 = arith.constant 947912704 : i32
      %lt3A_156 = vector.broadcast %lt3A_155 : i32 to vector<4096x64xi32>
      %lt3A_157 = arith.cmpi slt, %and3A_127, %lt3A_156 : vector<4096x64xi32>
      %select_n3A_158 = arith.select %lt3A_157, %mul3A_154, %bitcast_convert_type3A_142 : vector<4096x64xi1>, vector<4096x64xf32>
      %swap3A_159 = arith.constant 0 : index
      %swap3A_160 = arith.constant 0 : index
      %swap3A_161 = vector.load %arg8[%swap3A_159, %swap3A_160] : memref<4096x64xf32, #tpu.memory_space<vmem>>, vector<4096x64xf32>
      tpu.vector_store %arg8[%swap3A_159, %swap3A_160], %select_n3A_158 {strides = array<i32>} : memref<4096x64xf32, #tpu.memory_space<vmem>>, vector<4096x64xf32>,
      %get3A_162 = arith.constant 0 : index
      %get3A_163 = arith.constant 0 : index
      %get3A_164 = vector.load %arg8[%get3A_162, %get3A_163] : memref<4096x64xf32, #tpu.memory_space<vmem>>, vector<4096x64xf32>
      %mul3A_165 = arith.mulf %get3A_164, %get3A_164 : vector<4096x64xf32>
      %reduce_sum3A_166 = arith.constant dense<0.000000e+00> : vector<4096xf32>
      %reduce_sum3A_167 = vector.multi_reduction <add>, %mul3A_165, %reduce_sum3A_166 [1] : vector<4096x64xf32> to vector<4096xf32>
      %broadcast_in_dim3A_168 = vector.shape_cast %reduce_sum3A_167 : vector<4096xf32> to vector<4096x1xf32>
      %broadcast_in_dim3A_169 = arith.constant 1.000000e+00 : f32
      %broadcast_in_dim3A_170 = vector.broadcast %broadcast_in_dim3A_169 : f32 to vector<1x1xf32>
      %dot_general3A_171 = arith.constant dense<0.000000e+00> : vector<1x4096xf32>
      %dot_general3A_172 = tpu.matmul %broadcast_in_dim3A_170, %broadcast_in_dim3A_168, %dot_general3A_171 {dimension_numbers = #tpu.dot_dimension_numbers<[1], [1], [0], [0], [0, 0, 1, 0], [], []>, precision = #tpu.contract_precision<fp32>, transpose_lhs_hint = false} : vector<1x1xf32>, vector<4096x1xf32>, vector<1x4096xf32> -> vector<1x4096xf32>
      %swap3A_173 = arith.constant 0 : index
      %swap3A_174 = arith.constant 0 : index
      %swap3A_175 = vector.load %arg9[%swap3A_173, %swap3A_174] : memref<1x4096xf32, #tpu.memory_space<vmem>>, vector<1x4096xf32>
      tpu.vector_store %arg9[%swap3A_173, %swap3A_174], %dot_general3A_172 {strides = array<i32>} : memref<1x4096xf32, #tpu.memory_space<vmem>>, vector<1x4096xf32>,
    } else {
    }
    %get3A = arith.constant 0 : index
    %get3A_2 = arith.constant 0 : index
    %get3A_3 = vector.load %arg8[%get3A, %get3A_2] : memref<4096x64xf32, #tpu.memory_space<vmem>>, vector<4096x64xf32>
    %mul3A = arith.constant 200 : i32
    %mul3A_4 = arith.muli %arg0, %mul3A : i32
    %get3A_5 = arith.index_cast %mul3A_4 : i32 to index
    %get3A_6 = arith.constant 0 : index
    %get3A_7 = vector.load %arg8[%get3A_5, %get3A_6] : memref<4096x64xf32, #tpu.memory_space<vmem>>, vector<200x64xf32>
    %add3A = arith.addf %get3A_7, %get3A_7 : vector<200x64xf32>
    %dot_general3A = arith.constant dense<0.000000e+00> : vector<200x4096xf32>
    %dot_general3A_8 = tpu.matmul %add3A, %get3A_3, %dot_general3A {dimension_numbers = #tpu.dot_dimension_numbers<[1], [1], [0], [0], [0, 0, 1, 0], [], []>, transpose_lhs_hint = false} : vector<200x64xf32>, vector<4096x64xf32>, vector<200x4096xf32> -> vector<200x4096xf32>
    %mul3A_9 = arith.mulf %get3A_7, %get3A_7 : vector<200x64xf32>
    %reduce_sum3A = arith.constant dense<0.000000e+00> : vector<200xf32>
    %reduce_sum3A_10 = vector.multi_reduction <add>, %mul3A_9, %reduce_sum3A [1] : vector<200x64xf32> to vector<200xf32>
    %broadcast_in_dim3A = vector.shape_cast %reduce_sum3A_10 : vector<200xf32> to vector<200x1xf32>
    %get3A_11 = arith.constant 0 : index
    %get3A_12 = arith.constant 0 : index
    %get3A_13 = vector.load %arg9[%get3A_11, %get3A_12] : memref<1x4096xf32, #tpu.memory_space<vmem>>, vector<1x4096xf32>
    %add3A_14 = vector.broadcast %broadcast_in_dim3A : vector<200x1xf32> to vector<200x4096xf32>
    %add3A_15 = vector.broadcast %get3A_13 : vector<1x4096xf32> to vector<200x4096xf32>
    %add3A_16 = arith.addf %add3A_14, %add3A_15 : vector<200x4096xf32>
    %sub3A = arith.subf %add3A_16, %dot_general3A_8 : vector<200x4096xf32>
    %max3A = arith.constant 0.000000e+00 : f32
    %max3A_17 = vector.broadcast %max3A : f32 to vector<200x4096xf32>
    %max3A_18 = arith.maximumf %sub3A, %max3A_17 : vector<200x4096xf32>
    %sqrt3A = math.sqrt %max3A_18 : vector<200x4096xf32>
    %get3A_19 = arith.constant 0 : index
    %get3A_20 = memref.load %arg1[%get3A_19] : memref<1xf32, #tpu.memory_space<smem>>
    %bitcast_convert_type3A = arith.bitcast %get3A_20 : f32 to i32
    %shift_right_arithmetic3A = arith.constant 13 : i32
    %shift_right_arithmetic3A_21 = arith.shrsi %bitcast_convert_type3A, %shift_right_arithmetic3A : i32
    %and3A = arith.constant 1 : i32
    %and3A_22 = arith.andi %shift_right_arithmetic3A_21, %and3A : i32
    %add3A_23 = arith.constant 4095 : i32
    %add3A_24 = arith.addi %bitcast_convert_type3A, %add3A_23 : i32
    %add3A_25 = arith.addi %add3A_24, %and3A_22 : i32
    %shift_right_arithmetic3A_26 = arith.constant 13 : i32
    %shift_right_arithmetic3A_27 = arith.shrsi %add3A_25, %shift_right_arithmetic3A_26 : i32
    %sub3A_28 = arith.constant 114688 : i32
    %sub3A_29 = arith.subi %shift_right_arithmetic3A_27, %sub3A_28 : i32
    %shift_right_arithmetic3A_30 = arith.constant 10 : i32
    %shift_right_arithmetic3A_31 = arith.shrsi %sub3A_29, %shift_right_arithmetic3A_30 : i32
    %and3A_32 = arith.constant 1023 : i32
    %and3A_33 = arith.andi %sub3A_29, %and3A_32 : i32
    %add3A_34 = arith.constant 112 : i32
    %add3A_35 = arith.addi %shift_right_arithmetic3A_31, %add3A_34 : i32
    %shift_left3A = arith.constant 23 : i32
    %shift_left3A_36 = arith.shli %add3A_35, %shift_left3A : i32
    %shift_left3A_37 = arith.constant 13 : i32
    %shift_left3A_38 = arith.shli %and3A_33, %shift_left3A_37 : i32
    %or3A = arith.ori %shift_left3A_36, %shift_left3A_38 : i32
    %bitcast_convert_type3A_39 = arith.bitcast %or3A : i32 to f32
    %sub3A_40 = arith.constant 1 : i32
    %sub3A_41 = arith.subi %sub3A_29, %sub3A_40 : i32
    %shift_right_arithmetic3A_42 = arith.constant 10 : i32
    %shift_right_arithmetic3A_43 = arith.shrsi %sub3A_41, %shift_right_arithmetic3A_42 : i32
    %and3A_44 = arith.constant 1023 : i32
    %and3A_45 = arith.andi %sub3A_41, %and3A_44 : i32
    %add3A_46 = arith.constant 112 : i32
    %add3A_47 = arith.addi %shift_right_arithmetic3A_43, %add3A_46 : i32
    %shift_left3A_48 = arith.constant 23 : i32
    %shift_left3A_49 = arith.shli %add3A_47, %shift_left3A_48 : i32
    %shift_left3A_50 = arith.constant 13 : i32
    %shift_left3A_51 = arith.shli %and3A_45, %shift_left3A_50 : i32
    %or3A_52 = arith.ori %shift_left3A_49, %shift_left3A_51 : i32
    %bitcast_convert_type3A_53 = arith.bitcast %or3A_52 : i32 to f32
    %add3A_54 = arith.addf %bitcast_convert_type3A_53, %bitcast_convert_type3A_39 : f32
    %mul3A_55 = arith.constant 5.000000e-01 : f32
    %mul3A_56 = arith.mulf %mul3A_55, %add3A_54 : f32
    %bitcast_convert_type3A_57 = arith.bitcast %mul3A_56 : f32 to i32
    %and3A_58 = arith.constant 1 : i32
    %and3A_59 = arith.andi %sub3A_29, %and3A_58 : i32
    %add3A_60 = arith.addi %bitcast_convert_type3A_57, %and3A_59 : i32
    %bitcast_convert_type3A_61 = arith.bitcast %add3A_60 : i32 to f32
    %lt3A = vector.broadcast %bitcast_convert_type3A_61 : f32 to vector<200x4096xf32>
    %lt3A_62 = arith.cmpf olt, %sqrt3A, %lt3A : vector<200x4096xf32>
    %convert_element_type3A_63 = arith.extui %lt3A_62 : vector<200x4096xi1> to vector<200x4096xi32>
    %convert_element_type3A_64 = arith.sitofp %convert_element_type3A_63 : vector<200x4096xi32> to vector<200x4096xf32>
    %get3A_65 = arith.constant 0 : index
    %get3A_66 = arith.constant 0 : index
    %get3A_67 = arith.constant 0 : index
    %get3A_68 = vector.load %arg5[%get3A_65, %get3A_66, %get3A_67] : memref<1x4096x1xf32, #tpu.memory_space<vmem>>, vector<1x4096x1xf32>
    %get3A_69 = vector.shape_cast %get3A_68 : vector<1x4096x1xf32> to vector<4096x1xf32>
    %dot_general3A_70 = arith.constant dense<0.000000e+00> : vector<200x1xf32>
    %dot_general3A_71 = tpu.matmul %convert_element_type3A_64, %get3A_69, %dot_general3A_70 {dimension_numbers = #tpu.dot_dimension_numbers<[1], [0], [0], [1], [0, 0, 1, 1], [], []>, transpose_lhs_hint = false} : vector<200x4096xf32>, vector<4096x1xf32>, vector<200x1xf32> -> vector<200x1xf32>
    %convert_element_type3A_72 = arith.fptosi %dot_general3A_71 : vector<200x1xf32> to vector<200x1xi32>
    %get3A_73 = arith.constant 0 : index
    %get3A_74 = arith.constant 0 : index
    %get3A_75 = arith.constant 0 : index
    %get3A_76 = vector.load %arg4[%get3A_73, %get3A_74, %get3A_75] : memref<1x1x4096xf32, #tpu.memory_space<vmem>>, vector<1x1x4096xf32>
    %get3A_77 = vector.shape_cast %get3A_76 : vector<1x1x4096xf32> to vector<1x4096xf32>
    %dot_general3A_78 = arith.constant dense<0.000000e+00> : vector<1x200xf32>
    %dot_general3A_79 = tpu.matmul %get3A_77, %convert_element_type3A_64, %dot_general3A_78 {dimension_numbers = #tpu.dot_dimension_numbers<[1], [1], [0], [0], [0, 0, 1, 0], [], []>, transpose_lhs_hint = false} : vector<1x4096xf32>, vector<200x4096xf32>, vector<1x200xf32> -> vector<1x200xf32>
    %convert_element_type3A_80 = arith.fptosi %dot_general3A_79 : vector<1x200xf32> to vector<1x200xi32>
    %iota3A = tpu.iota {dimensions = array<i32: 0>} : vector<200x1xi32>
    %iota3A_81 = tpu.iota {dimensions = array<i32: 1>} : vector<1x200xi32>
    %mul3A_82 = arith.constant 256 : i32
    %mul3A_83 = vector.broadcast %mul3A_82 : i32 to vector<200x1xi32>
    %mul3A_84 = arith.muli %convert_element_type3A_72, %mul3A_83 : vector<200x1xi32>
    %add3A_85 = arith.addi %mul3A_84, %iota3A : vector<200x1xi32>
    %mul3A_86 = arith.constant 256 : i32
    %mul3A_87 = vector.broadcast %mul3A_86 : i32 to vector<1x200xi32>
    %mul3A_88 = arith.muli %convert_element_type3A_80, %mul3A_87 : vector<1x200xi32>
    %add3A_89 = arith.addi %mul3A_88, %iota3A_81 : vector<1x200xi32>
    %lt3A_90 = vector.broadcast %add3A_89 : vector<1x200xi32> to vector<200x200xi32>
    %lt3A_91 = vector.broadcast %add3A_85 : vector<200x1xi32> to vector<200x200xi32>
    %lt3A_92 = arith.cmpi slt, %lt3A_90, %lt3A_91 : vector<200x200xi32>
    %convert_element_type3A_93 = arith.extui %lt3A_92 : vector<200x200xi1> to vector<200x200xi32>
    %reduce_sum3A_94 = arith.constant dense<0> : vector<200xi32>
    %reduce_sum3A_95 = vector.multi_reduction <add>, %convert_element_type3A_93, %reduce_sum3A_94 [1] : vector<200x200xi32> to vector<200xi32>
    %broadcast_in_dim3A_96 = vector.shape_cast %reduce_sum3A_95 : vector<200xi32> to vector<200x1xi32>
    %iota3A_97 = tpu.iota {dimensions = array<i32: 1>} : vector<1x100xi32>
    %get3A_98 = arith.constant 0 : index
    %get3A_99 = memref.load %arg2[%get3A_98] : memref<1xi32, #tpu.memory_space<smem>>
    %add3A_100 = vector.broadcast %get3A_99 : i32 to vector<1x100xi32>
    %add3A_101 = arith.addi %iota3A_97, %add3A_100 : vector<1x100xi32>
    %eq3A_102 = vector.broadcast %broadcast_in_dim3A_96 : vector<200x1xi32> to vector<200x100xi32>
    %eq3A_103 = vector.broadcast %add3A_101 : vector<1x100xi32> to vector<200x100xi32>
    %eq3A_104 = arith.cmpi eq, %eq3A_102, %eq3A_103 : vector<200x100xi32>
    %get3A_105 = arith.constant 0 : index
    %get3A_106 = arith.constant 0 : index
    %get3A_107 = arith.constant 0 : index
    %get3A_108 = vector.load %arg6[%get3A_105, %get3A_106, %get3A_107] : memref<1x200x1xi32, #tpu.memory_space<vmem>>, vector<1x200x1xi32>
    %get3A_109 = vector.shape_cast %get3A_108 : vector<1x200x1xi32> to vector<200x1xi32>
    %jit3A = arith.constant 0 : i32
    %broadcast_in_dim3A_110 = vector.shape_cast %get3A_109 : vector<200x1xi32> to vector<200x1xi32>
    %broadcast_in_dim3A_111 = vector.broadcast %broadcast_in_dim3A_110 : vector<200x1xi32> to vector<200x100xi32>
    %broadcast_in_dim3A_112 = vector.broadcast %jit3A : i32 to vector<200x100xi32>
    %select_n3A = arith.select %eq3A_104, %broadcast_in_dim3A_111, %broadcast_in_dim3A_112 : vector<200x100xi1>, vector<200x100xi32>
    %reduce_sum3A_113 = arith.constant dense<0> : vector<100xi32>
    %reduce_sum3A_114 = vector.multi_reduction <add>, %select_n3A, %reduce_sum3A_113 [0] : vector<200x100xi32> to vector<100xi32>
    %broadcast_in_dim3A_115 = vector.shape_cast %reduce_sum3A_114 : vector<100xi32> to vector<1x100xi32>
    %swap3A = arith.constant 0 : index
    %swap3A_116 = arith.constant 0 : index
    %swap3A_117 = arith.constant 0 : index
    %swap3A_118 = vector.load %arg7[%swap3A, %swap3A_116, %swap3A_117] : memref<1x1x100xi32, #tpu.memory_space<vmem>>, vector<1x1x100xi32>
    %swap3A_119 = vector.shape_cast %swap3A_118 : vector<1x1x100xi32> to vector<1x100xi32>
    %swap3A_120 = vector.shape_cast %broadcast_in_dim3A_115 : vector<1x100xi32> to vector<1x1x100xi32>
    tpu.vector_store %arg7[%swap3A, %swap3A_116, %swap3A_117], %swap3A_120 {strides = array<i32>} : memref<1x1x100xi32, #tpu.memory_space<vmem>>, vector<1x1x100xi32>,
    return
  }
  func.func @transform_0(%arg0: i32) -> i32 {
    %c0_i32 = arith.constant 0 : i32
    %c0_i32_0 = arith.constant 0 : i32
    return %c0_i32 : i32
  }
  func.func @transform_1(%arg0: i32) -> i32 {
    %c0_i32 = arith.constant 0 : i32
    %c0_i32_0 = arith.constant 0 : i32
    return %c0_i32 : i32
  }
  func.func @transform_2(%arg0: i32) -> (i32, i32) {
    %c0_i32 = arith.constant 0 : i32
    %c0_i32_0 = arith.constant 0 : i32
    %c0_i32_1 = arith.constant 0 : i32
    return %c0_i32, %c0_i32_0 : i32, i32
  }
  func.func @transform_3(%arg0: i32) -> (i32, i32, i32) {
    %c0_i32 = arith.constant 0 : i32
    %c0_i32_0 = arith.constant 0 : i32
    %c0_i32_1 = arith.constant 0 : i32
    return %arg0, %c0_i32, %c0_i32_0 : i32, i32, i32
  }
  func.func @transform_4(%arg0: i32) -> (i32, i32, i32) {
    %c0_i32 = arith.constant 0 : i32
    %c0_i32_0 = arith.constant 0 : i32
    %c0_i32_1 = arith.constant 0 : i32
    return %arg0, %c0_i32, %c0_i32_0 : i32, i32, i32
  }
  func.func @transform_5(%arg0: i32) -> (i32, i32, i32) {
    %c0_i32 = arith.constant 0 : i32
    %c0_i32_0 = arith.constant 0 : i32
    %c0_i32_1 = arith.constant 0 : i32
    return %arg0, %c0_i32, %c0_i32_0 : i32, i32, i32
  }
  func.func @transform_6(%arg0: i32) -> (i32, i32, i32) {
    %c0_i32 = arith.constant 0 : i32
    %c0_i32_0 = arith.constant 0 : i32
    %c0_i32_1 = arith.constant 0 : i32
    return %arg0, %c0_i32, %c0_i32_0 : i32, i32, i32
  }
}

</mosaic_0001>

<sc_bundles>
// kernel: kernel.4.cloned.1.call-start
scs
__scs_entry_jumppad:
0x0: {  	(pc) =	sbr.rel $0x88, $3  }
0x1: {  	(tag) =	ssettag $0x0;
	lr =	simm.s32 $0x1  }
0x2: {  	[smem:$0x3F9D] =	sst lr;
	_ =	strace $0xD0000000  }
0x3: {  	_ = 	snop  }
0x4: {  	_ = 	snop  }
0x5: {  	_ = 	snop  }
0x6: {  	_ = 	snop  }
0x7: {  	_ = 	snop  }
__scs_overlays_trampoline_lowered:
0x8: {  	[smem:$0x3FAC] =	sst s0  }
0x9: {  	[smem:$0x3FAD] =	sst s1  }
0xa: {  	[smem:$0x3FAE] =	sst s2  }
0xb: {  	[smem:$0x3FAF] =	sst s3  }
0xc: {  	[smem:$0x3FB0] =	sst s4  }
0xd: {  	[smem:$0x3FB1] =	sst s5  }
0xe: {  	[smem:$0x3FB2] =	sst s6  }
0xf: {  	[smem:$0x3FB3] =	sst s7  }
0x10: {  	[smem:$0x3FB4] =	sst s8  }
0x11: {  	[smem:$0x3FB5] =	sst s9;
	s0 =	simm.s32 @!p0 $0x0  }
0x12: {  	s1 =	sld [smem:$0x3F9B];
	s0 =	simm.s32 @p0 $0x1  }
0x13: {  	[smem:$0x3FB6] =	sst s0;
	s0 =	simm.s32 @!p1 $0x0  }
0x14: {  	s2 =	sld [smem:$0x3F9A];
	s0 =	simm.s32 @p1 $0x1  }
0x15: {  	[smem:$0x3FB7] =	sst s0;
	s0 =	simm.s32 @!p2 $0x0  }
0x16: {  	s3 =	sld [smem:$0x3FDB];
	s0 =	simm.s32 @p2 $0x1  }
0x17: {  	s4 =	simm.s32 $0x1BF5;
	[smem:$0x3FB9] =	sst s0  }
0x18: {  	s0 =	sld [smem:$0x3F9C];
	_ =	swait.ge [sflag:s4], $0x0  }
0x19: {  	s7 =	sld [smem:$0x3F9D]  }
0x1a: {  	s8 =	sadd.s32 $0xFFFFE003, lr  }
0x1b: {  	s9 =	sadd.s32 $0xFFFFFEF7, lr;
	s5 =	simm.s32 $0xFFFFFFFF;
	p2 =	slt.u32 s8, $0xFFFFF086  }
0x1c: {  	p1 =	slt.u32 s9, $0xF7A;
	s5 =	simm.s32 @!p2 $0x0  }
0x1d: {  	s5 =	simm.s32 @p1 $0x1;
	p0 =	seq.s32 s7, s2  }
0x1e: {  	s7 =	smul.u32 @!p0 $0xF7A, s2;
	p2 =	seq.s32 @!p0 s5, $0x0  }
0x1f: {  	s9 =	smul.u32 $0xF7A, s1;
	s8 =	simm.s32 @!p0 $0x1BF5;
	p2 =	por !p2, p0  }
0x20: {  	[sflag:s8] =	ssyncset.s32 @!p0 $0xFFFFF086;
	s6 =	sadd.s32 @!p0 s3, s7;
	s7 =	simm.s32 @!p0 $0x108  }
0x21: {  	s3 =	sadd.s32 s3, s9;
	s6 =	sadd.s32 @!p0 $0x88, s6;
	s7 =	simm.s32 @p2 $0x1082  }
0x22: {  	[simem:s7], [sflag:s8] =	dma.local @!p0 [hbm:s6], $0xF7A  }
0x23: {  	s9 =	sor.u32 $0xD0000000, s2;
	s6 =	simm.s32 $0x108;
	_ =	swait.ge @!p0 [sflag:s8], $0x0  }
0x24: {  	s3 =	sadd.s32 $0x88, s3;
	s6 =	simm.s32 @!p1 $0x1082;
	[sflag:s4] =	ssyncset.s32 $0xFFFFF086  }
0x25: {  	[simem:s6], [sflag:s4] =	dma.local [hbm:s3], $0xF7A  }
0x26: {  	[smem:$0x3F9D] =	sst s1;
	(tag) =	ssettag s2;
	_ =	strace s9  }
0x27: {  	s1 =	sld [smem:$0x3FAD]  }
0x28: {  	s2 =	sld [smem:$0x3FAE]  }
0x29: {  	s4 =	sld [smem:$0x3FB0]  }
0x2a: {  	p0 =	seq.s32 s5, $0x0;
	s5 =	sld [smem:$0x3FB1]  }
0x2b: {  	s6 =	sld [smem:$0x3FB2]  }
0x2c: {  	s7 =	sld [smem:$0x3FB3]  }
0x2d: {  	s3 =	simm.s32 $0x108;
	s8 =	sld [smem:$0x3FB4]  }
0x2e: {  	s3 =	simm.s32 @!p0 $0x1082;
	s9 =	sld [smem:$0x3FB5]  }
0x2f: {  	lr =	sadd.s32 s0, s3;
	s0 =	sld [smem:$0x3FAC]  }
0x30: {  	s3 =	sld [smem:$0x3FAF]  }
0x31: {  	[smem:$0x3FB8] =	sst s10  }
0x32: {  	s10 =	sld [smem:$0x3FB6];
	_ =	sdelay $0x3  }
0x33: {  	p0 =	seq.s32 s10, $0x1;
	s10 =	sld [smem:$0x3FB8];
	_ =	sdelay $0x3  }
0x34: {  	[smem:$0x3FB8] =	sst s10  }
0x35: {  	s10 =	sld [smem:$0x3FB7];
	_ =	sdelay $0x3  }
0x36: {  	p1 =	seq.s32 s10, $0x1;
	s10 =	sld [smem:$0x3FB8];
	_ =	sdelay $0x3  }
0x37: {  	[smem:$0x3FB8] =	sst s10  }
0x38: {  	s10 =	sld [smem:$0x3FB9]  }
0x39: {  	_ = 	snop;
	(pc) =	sbr.ind lr, $3  }
0x3a: {  	_ = 	snop  }
0x3b: {  	_ = 	snop  }
0x3c: {  	p2 =	seq.s32 s10, $0x1;
	s10 =	sld [smem:$0x3FB8]  }
0x3d: {  	_ =	shalt  }
0x3e: {  	_ =	shalt  }
0x3f: {  	_ =	shalt  }
0x40: {  	_ =	shalt  }
0x41: {  	_ =	shalt  }
0x42: {  	_ =	shalt  }
0x43: {  	_ =	shalt  }
0x44: {  	_ =	shalt  }
0x45: {  	_ =	shalt  }
0x46: {  	_ =	shalt  }
0x47: {  	_ =	shalt  }
0x48: {  	_ =	shalt  }
0x49: {  	_ =	shalt  }
0x4a: {  	_ =	shalt  }
0x4b: {  	_ =	shalt  }
0x4c: {  	_ =	shalt  }
0x4d: {  	_ =	shalt  }
0x4e: {  	_ =	shalt  }
0x4f: {  	_ =	shalt  }
0x50: {  	_ =	shalt  }
0x51: {  	_ =	shalt  }
0x52: {  	_ =	shalt  }
0x53: {  	_ =	shalt  }
0x54: {  	_ =	shalt  }
0x55: {  	_ =	shalt  }
0x56: {  	_ =	shalt  }
0x57: {  	_ =	shalt  }
0x58: {  	_ =	shalt  }
0x59: {  	_ =	shalt  }
0x5a: {  	_ =	shalt  }
0x5b: {  	_ =	shalt  }
0x5c: {  	_ =	shalt  }
0x5d: {  	_ =	shalt  }
0x5e: {  	_ =	shalt  }
0x5f: {  	_ =	shalt  }
0x60: {  	_ =	shalt  }
0x61: {  	_ =	shalt  }
0x62: {  	_ =	shalt  }
0x63: {  	_ =	shalt  }
0x64: {  	_ =	shalt  }
0x65: {  	_ =	shalt  }
0x66: {  	_ =	shalt  }
0x67: {  	_ =	shalt  }
0x68: {  	_ =	shalt  }
0x69: {  	_ =	shalt  }
0x6a: {  	_ =	shalt  }
0x6b: {  	_ =	shalt  }
0x6c: {  	_ =	shalt  }
0x6d: {  	_ =	shalt  }
0x6e: {  	_ =	shalt  }
0x6f: {  	_ =	shalt  }
0x70: {  	_ =	shalt  }
0x71: {  	_ =	shalt  }
0x72: {  	_ =	shalt  }
0x73: {  	_ =	shalt  }
0x74: {  	_ =	shalt  }
0x75: {  	_ =	shalt  }
0x76: {  	_ =	shalt  }
0x77: {  	_ =	shalt  }
0x78: {  	_ =	shalt  }
0x79: {  	_ =	shalt  }
0x7a: {  	_ =	shalt  }
0x7b: {  	_ =	shalt  }
0x7c: {  	_ =	shalt  }
0x7d: {  	_ =	shalt  }
0x7e: {  	_ =	shalt  }
0x7f: {  	_ =	shalt  }
0x80: {  	_ =	shalt  }
0x81: {  	_ =	shalt  }
0x82: {  	_ =	shalt  }
0x83: {  	_ =	shalt  }
0x84: {  	_ =	shalt  }
0x85: {  	_ =	shalt  }
0x86: {  	_ =	shalt  }
0x87: {  	_ =	shalt  }
.Lfunc_end0:
.L_simem_size_0:
called_computation_lowered:
.L_overlay_start_0:
0x88: {  	s2 =	sld [smem:$0x3FD9]  }
0x89: {  	s3 =	sld [smem:$0x3FFE];
	_ =	sdelay $0x1  }
0x8a: {  	s1 =	srdreg.scid  }
0x8b: {  	s0 =	sand.u32 $0x1, s1  }
0x8c: {  	s28 =	sshll.u32 s0, $0xA;
	s2 =	sadd.s32 s3, s2  }
0x8d: {  	s2 =	sadd.s32 s2, s28  }
0x8e: {  	s9 =	simm.s32 $0x0;
	[smem:$0x3FC4] =	sst s2  }
0x8f: {  	[smem:$0xF] =	sst s9  }
0x90: {  	(tm) =	ssettm $0x1  }
0x91: {  	s29 =	sld [smem:$0x3FFB];
	_ =	sdelay $0x3  }
0x92: {  	_ =	strace s29  }
0x93: {  	s2 =	sld [smem:$0x3FFC];
	_ =	sdelay $0x3  }
0x94: {  	_ =	strace s2  }
0x95: {  	s2 =	sld [smem:$0x3FFD];
	_ =	sdelay $0x3  }
0x96: {  	_ =	strace s2  }
0x97: {  	s30 =	simm.s32 $0x1B8B;
	_ =	strace $0x8FFFFFFF  }
0x98: {  	_ =	swait.ge [sflag:s30], $0x1  }
0x99: {  	s4 =	sld [smem:$0x3FFE]  }
0x9a: {  	s31 =	simm.s32 $0x1B8E;
	p1 =	por $0x1, $0x1;
	[sflag:s30] =	ssyncset.done $0x0  }
0x9b: {  	s6 =	simm.s32 $0x9;
	s7 =	simm.s32 $0x10;
	[sflag:s30] =	ssyncadd.s32 $0xFFFFFFFF  }
0x9c: {  	s8 =	simm.s32 $0xA;
	s5 =	sshll.u32 s0, $0xF;
	[smem:$0x3FD2] =	sst s31  }
0x9d: {  	_ =	strace $0x80000046;
	s3 =	sadd.s32 $0xF42C00, s4;
	s5 =	sadd.s32 s5, s4  }
0x9e: {  	s2 =	sadd.s32 $0x800, s4;
	s4 =	sshll.u32 s0, $0xB;
	s5 =	sadd.s32 $0xF42E70, s5  }
.LBB1_1:
0x9f: {  	s10 =	sor.u32 s4, s9  }
0xa0: {  	s10 =	sshrl.u32 s10, $0x3  }
0xa1: {  	s10 =	sadd.s32 s3, s10  }
0xa2: {  	[smem:s7], [sflag:s6] =	dma.local [hbm:s10], $0x80  }
0xa3: {  	_ =	swait.ge [sflag:s6], $0x80  }
0xa4: {  	[sflag:s6] =	ssyncset.done $0x0  }
0xa5: {  	[sflag:s6] =	ssyncadd.s32 $0xFFFFFF80  }
0xa6: {  	s23 =	sld [smem:$0x10];
	_ =	sdelay $0x3  }
0xa7: {  	s24 =	sshll.u32 s9, $0x4;
	s10 =	sshll.u32 s23, $0x4  }
0xa8: {  	s9 =	sadd.s32 s24, s5;
	s10 =	sand.u32 $0x1FFFFFF0, s10  }
0xa9: {  	s11 =	sadd.s32 $0xFFFFFF90, s9;
	s10 =	sadd.s32 s2, s10  }
0xaa: {  	[hbm:s11], [sflag:s8] =	dma.local [hbm:s10], $0x10  }
0xab: {  	s10 =	sld [smem:$0x11];
	_ =	sdelay $0x3  }
0xac: {  	s10 =	sshll.u32 s10, $0x4  }
0xad: {  	s10 =	sand.u32 $0x1FFFFFF0, s10  }
0xae: {  	s25 =	sadd.s32 $0xFFFFFFA0, s9;
	s10 =	sadd.s32 s2, s10  }
0xaf: {  	[hbm:s25], [sflag:s8] =	dma.local [hbm:s10], $0x10  }
0xb0: {  	s10 =	sld [smem:$0x12];
	_ =	sdelay $0x3  }
0xb1: {  	s10 =	sshll.u32 s10, $0x4  }
0xb2: {  	s10 =	sand.u32 $0x1FFFFFF0, s10  }
0xb3: {  	s26 =	sadd.s32 $0xFFFFFFB0, s9;
	s10 =	sadd.s32 s2, s10  }
0xb4: {  	[hbm:s26], [sflag:s8] =	dma.local [hbm:s10], $0x10  }
0xb5: {  	s10 =	sld [smem:$0x13];
	_ =	sdelay $0x3  }
0xb6: {  	s10 =	sshll.u32 s10, $0x4  }
0xb7: {  	s10 =	sand.u32 $0x1FFFFFF0, s10  }
0xb8: {  	s28 =	sadd.s32 $0xFFFFFFC0, s9;
	s10 =	sadd.s32 s2, s10  }
0xb9: {  	[hbm:s28], [sflag:s8] =	dma.local [hbm:s10], $0x10  }
0xba: {  	s10 =	sld [smem:$0x14];
	_ =	sdelay $0x3  }
0xbb: {  	s10 =	sshll.u32 s10, $0x4  }
0xbc: {  	s10 =	sand.u32 $0x1FFFFFF0, s10  }
0xbd: {  	s29 =	sadd.s32 $0xFFFFFFD0, s9;
	s10 =	sadd.s32 s2, s10  }
0xbe: {  	[hbm:s29], [sflag:s8] =	dma.local [hbm:s10], $0x10  }
0xbf: {  	s10 =	sld [smem:$0x15];
	_ =	sdelay $0x3  }
0xc0: {  	s10 =	sshll.u32 s10, $0x4  }
0xc1: {  	s10 =	sand.u32 $0x1FFFFFF0, s10  }
0xc2: {  	s30 =	sadd.s32 $0xFFFFFFE0, s9;
	s10 =	sadd.s32 s2, s10  }
0xc3: {  	[hbm:s30], [sflag:s8] =	dma.local [hbm:s10], $0x10  }
0xc4: {  	s10 =	sld [smem:$0x16];
	_ =	sdelay $0x3  }
0xc5: {  	s10 =	sshll.u32 s10, $0x4  }
0xc6: {  	s10 =	sand.u32 $0x1FFFFFF0, s10  }
0xc7: {  	s31 =	sadd.s32 $0xFFFFFFF0, s9;
	s10 =	sadd.s32 s2, s10  }
0xc8: {  	[hbm:s31], [sflag:s8] =	dma.local [hbm:s10], $0x10  }
0xc9: {  	s10 =	sld [smem:$0x17];
	_ =	sdelay $0x3  }
0xca: {  	p0 =	por p1, p1;
	s12 =	sshll.u32 s10, $0x4  }
0xcb: {  	s13 =	simm.s32 $0x1C;
	s11 =	simm.s32 $0x0;
	s12 =	sand.u32 $0x1FFFFFF0, s12  }
0xcc: {  	s10 =	simm.s32 $0xFFFFFFF8;
	s14 =	sadd.s32 s2, s12;
	s12 =	sadd.s32 $0x80, s9  }
.LBB1_2:
0xcd: {  	[hbm:s9], [sflag:s8] =	dma.local [hbm:s14], $0x10  }
0xce: {  	s11 =	sadd.s32 $0x8, s11;
	s9 =	smov.u32 s12;
	s14 =	sld [smem:s13+$0xFFFFFFFC]  }
0xcf: {  	p1 =	slt.u32 s11, $0x3F8;
	_ =	sdelay $0x2  }
0xd0: {  	s14 =	sshll.u32 s14, $0x4  }
0xd1: {  	s14 =	sand.u32 $0x1FFFFFF0, s14  }
0xd2: {  	s15 =	sadd.s32 $0xFFFFFF90, s12;
	s14 =	sadd.s32 s2, s14  }
0xd3: {  	[hbm:s15], [sflag:s8] =	dma.local [hbm:s14], $0x10  }
0xd4: {  	s14 =	sld [smem:s13+$0xFFFFFFFD];
	_ =	sdelay $0x3  }
0xd5: {  	s14 =	sshll.u32 s14, $0x4  }
0xd6: {  	s14 =	sand.u32 $0x1FFFFFF0, s14  }
0xd7: {  	s15 =	sadd.s32 $0xFFFFFFA0, s12;
	s14 =	sadd.s32 s2, s14  }
0xd8: {  	[hbm:s15], [sflag:s8] =	dma.local [hbm:s14], $0x10  }
0xd9: {  	s14 =	sld [smem:s13+$0xFFFFFFFE];
	_ =	sdelay $0x3  }
0xda: {  	s14 =	sshll.u32 s14, $0x4  }
0xdb: {  	s14 =	sand.u32 $0x1FFFFFF0, s14  }
0xdc: {  	s15 =	sadd.s32 $0xFFFFFFB0, s12;
	s14 =	sadd.s32 s2, s14  }
0xdd: {  	[hbm:s15], [sflag:s8] =	dma.local [hbm:s14], $0x10  }
0xde: {  	s14 =	sld [smem:s13+$0xFFFFFFFF];
	_ =	sdelay $0x3  }
0xdf: {  	s14 =	sshll.u32 s14, $0x4  }
0xe0: {  	s14 =	sand.u32 $0x1FFFFFF0, s14  }
0xe1: {  	s15 =	sadd.s32 $0xFFFFFFC0, s12;
	s14 =	sadd.s32 s2, s14  }
0xe2: {  	[hbm:s15], [sflag:s8] =	dma.local [hbm:s14], $0x10  }
0xe3: {  	s14 =	sld [smem:s13+$0x0];
	_ =	sdelay $0x3  }
0xe4: {  	s14 =	sshll.u32 s14, $0x4  }
0xe5: {  	s14 =	sand.u32 $0x1FFFFFF0, s14  }
0xe6: {  	s15 =	sadd.s32 $0xFFFFFFD0, s12;
	s14 =	sadd.s32 s2, s14  }
0xe7: {  	[hbm:s15], [sflag:s8] =	dma.local [hbm:s14], $0x10  }
0xe8: {  	s14 =	sld [smem:s13+$0x1];
	_ =	sdelay $0x3  }
0xe9: {  	s14 =	sshll.u32 s14, $0x4  }
0xea: {  	s14 =	sand.u32 $0x1FFFFFF0, s14  }
0xeb: {  	s15 =	sadd.s32 $0xFFFFFFE0, s12;
	s14 =	sadd.s32 s2, s14  }
0xec: {  	[hbm:s15], [sflag:s8] =	dma.local [hbm:s14], $0x10  }
0xed: {  	s14 =	sld [smem:s13+$0x2];
	_ =	sdelay $0x3  }
0xee: {  	s14 =	sshll.u32 s14, $0x4  }
0xef: {  	s14 =	sand.u32 $0x1FFFFFF0, s14  }
0xf0: {  	s15 =	sadd.s32 $0xFFFFFFF0, s12;
	s14 =	sadd.s32 s2, s14  }
0xf1: {  	[hbm:s15], [sflag:s8] =	dma.local [hbm:s14], $0x10  }
0xf2: {  	s14 =	sld [smem:s13+$0x3];
	_ =	sdelay $0x2  }
.Ltmp0:
0xf3: {  	(pc) =	sbr.rel @p1 .LBB1_2-.Ltmp0, $3  }
0xf4: {  	s14 =	sshll.u32 s14, $0x4  }
0xf5: {  	s14 =	sand.u32 $0x1FFFFFF0, s14  }
0xf6: {  	s12 =	sadd.s32 $0x80, s12;
	s13 =	sadd.s32 $0x8, s13;
	s14 =	sadd.s32 s2, s14  }
0xf7: {  	[hbm:s9], [sflag:s8] =	dma.local [hbm:s14], $0x10  }
.LBB1_4:
0xf8: {  	_ =	sdelay $0x1  }
0xf9: {  	_ =	swait.ge [sflag:s8], $0x10  }
0xfa: {  	[sflag:s8] =	ssyncset.done $0x0  }
0xfb: {  	[sflag:s8] =	ssyncadd.s32 $0xFFFFFFF0;
	_ =	sdelay $0x2  }
0xfc: {  	_ =	swait.ge [sflag:s8], $0x10  }
0xfd: {  	[sflag:s8] =	ssyncset.done $0x0  }
0xfe: {  	[sflag:s8] =	ssyncadd.s32 $0xFFFFFFF0;
	_ =	sdelay $0x2  }
0xff: {  	_ =	swait.ge [sflag:s8], $0x10  }
0x100: {  	[sflag:s8] =	ssyncset.done $0x0  }
0x101: {  	[sflag:s8] =	ssyncadd.s32 $0xFFFFFFF0;
	_ =	sdelay $0x2  }
0x102: {  	_ =	swait.ge [sflag:s8], $0x10  }
0x103: {  	[sflag:s8] =	ssyncset.done $0x0  }
0x104: {  	[sflag:s8] =	ssyncadd.s32 $0xFFFFFFF0;
	_ =	sdelay $0x2  }
0x105: {  	_ =	swait.ge [sflag:s8], $0x10  }
0x106: {  	[sflag:s8] =	ssyncset.done $0x0  }
0x107: {  	[sflag:s8] =	ssyncadd.s32 $0xFFFFFFF0;
	_ =	sdelay $0x2  }
0x108: {  	_ =	swait.ge [sflag:s8], $0x10  }
0x109: {  	[sflag:s8] =	ssyncset.done $0x0  }
0x10a: {  	[sflag:s8] =	ssyncadd.s32 $0xFFFFFFF0;
	_ =	sdelay $0x2  }
0x10b: {  	_ =	swait.ge [sflag:s8], $0x10  }
0x10c: {  	[sflag:s8] =	ssyncset.done $0x0  }
0x10d: {  	s10 =	sadd.s32 $0x8, s10;
	[sflag:s8] =	ssyncadd.s32 $0xFFFFFFF0  }
0x10e: {  	p1 =	slt.u32 s10, $0x3F8  }
.Ltmp1:
0x10f: {  	_ = 	snop;
	(pc) =	sbr.rel @p1 .LBB1_4-.Ltmp1, $3  }
0x110: {  	_ =	swait.ge [sflag:s8], $0x10  }
0x111: {  	[sflag:s8] =	ssyncset.done $0x0  }
0x112: {  	[sflag:s8] =	ssyncadd.s32 $0xFFFFFFF0  }
0x113: {  	_ =	strace @!p0 $0x90000046  }
0x114: {  	_ =	sfence @!p0  }
0x115: {  	s2 =	sld @!p0 [smem:$0x0];
	_ =	sdelay $0x2  }
0x116: {  	s3 =	sshll.u32 @!p0 s1, $0xD;
	s1 =	sshrl.u32 @!p0 s1, $0x2  }
0x117: {  	s3 =	sand.u32 @!p0 $0x4000, s3;
	s1 =	sadd.s32 @!p0 s1, s2  }
0x118: {  	s0 =	sor.u32 @!p0 s3, s0;
	s1 =	sshll.u32 @!p0 s1, $0x11  }
0x119: {  	s0 =	sor.u32 @!p0 s1, s0  }
0x11a: {  	s0 =	sadd.s32 @!p0 $0x8F2B, s0;
	(pc) =	sbr.abs @!p0 _section_cstart, $3  }
0x11b: {  	[sflag:s0] =	ssyncadd.remote.s32 @!p0 $0x1  }
0x11c: {  	_ =	strace @!p0 $0x9FFFFFFF  }
0x11d: {  	s9 =	simm.s32 $0x400;
	p1 =	por $0x0, $0x0;
	(tm) =	ssettm @!p0 $0x7FFFFFFF  }
.Ltmp2:
0x11e: {  	_ = 	snop;
	(pc) =	sbr.rel .LBB1_1-.Ltmp2, $1  }
0x11f: {  	_ =	sdelay $0x2  }

</sc_bundles>
